<compile_context>
chip_gen: v7x
topology: tpu7x:2x2x1
jax: 0.10.2.dev20260603
libtpu: 0.0.44.dev20260713+nightly
codegen_flags: <defaults>
</compile_context>

<pallas_src>
import jax
import jax.numpy as jnp
from jax import lax
from jax.experimental import pallas as pl
from jax.experimental.pallas import tpu as pltpu
from jax.experimental.pallas import tpu_sc as plsc

H = 16
S = 2048
NPOS = 2 * S - 1
PAD = NPOS + 1
NSHIFT = 16
SLAB = 8 * S
NSLAB = S // 2 // 8


def _body(tbl_hbm, out_hbm, tbl_v, rev_v, slab_v, sem):
    h = lax.axis_index("s")
    half = lax.axis_index("c")
    pltpu.sync_copy(tbl_hbm.at[h], tbl_v)
    lanes = lax.iota(jnp.int32, 16)

    @plsc.parallel_loop(0, NSHIFT * (PAD // 16), unroll=8)
    def build(t):
        s = lax.shift_right_logical(t, 8)
        m = lax.bitwise_and(t, (PAD // 16) - 1) * 16
        k = jnp.maximum((NPOS - 1) - s - (m + lanes), 0)
        idx = [lax.shift_right_logical(k, 10),
               lax.bitwise_and(lax.shift_right_logical(k, 7), 7),
               lax.bitwise_and(k, 127)]
        rev_v[pl.ds(t * 16, 16)] = plsc.load_gather(tbl_v, idx)

    si0 = half * NSLAB

    def stage(i, b):
        a00 = (S - 1) - 8 * (si0 + i)

        @plsc.parallel_loop(0, SLAB // 16, unroll=8)
        def piece(w):
            u = lax.shift_right_logical(w, 7)
            v = lax.bitwise_and(w, 127) * 16
            a = a00 - u + v
            s = lax.bitwise_and(a, NSHIFT - 1)
            off = pl.multiple_of(s * PAD + a - s, NSHIFT)
            slab_v[b, u, pl.ds(v, 16)] = rev_v[pl.ds(off, 16)]

    def fire(i, b):
        pltpu.make_async_copy(
            slab_v.at[b], out_hbm.at[h, si0 + i], sem).start()

    def wait_one():
        pltpu.make_async_copy(
            slab_v.at[0], out_hbm.at[h, si0], sem).wait()

    stage(0, 0)
    fire(0, 0)
    stage(1, 1)
    fire(1, 1)

    def steady(i, c):
        b = lax.bitwise_and(i, 1)
        wait_one()
        stage(i, b)
        fire(i, b)
        return c

    lax.fori_loop(2, NSLAB, steady, 0)
    wait_one()
    wait_one()


def kernel(relative_bias, seq_len):
    del seq_len
    tbl4 = jnp.pad(relative_bias, ((0, 0), (0, 1))).reshape(H, 4, 8, 128)
    mesh = plsc.VectorSubcoreMesh(core_axis_name="c", subcore_axis_name="s")
    f = pl.kernel(
        _body,
        out_type=jax.ShapeDtypeStruct((H, S // 8, 8, S), jnp.float32),
        mesh=mesh,
        scratch_types=[
            pltpu.VMEM((4, 8, 128), jnp.float32),
            pltpu.VMEM((NSHIFT * PAD,), jnp.float32),
            pltpu.VMEM((2, 8, S), jnp.float32),
            pltpu.SemaphoreType.DMA,
        ],
        compiler_params=pltpu.CompilerParams(
            needs_layout_passes=False, use_tc_tiling_on_sc=True,
            skip_device_barrier=True),
    )
    return f(tbl4).reshape(H, S, S)

# --- scband reference (transcript-rebuilt; emitter-appended) ---
"""Pipeline reference for scband-relative-position-bias-22978075034134 (READ-ONLY COPY).

The authoritative reference and input builder live on the scoring server;
editing this copy changes nothing except your own understanding.
"""

import jax, jax.numpy as jnp
import numpy as np

NUM_HEADS = 16
MAX_LEN = 2048


def setup_inputs(seed: int = 0) -> dict:
    key = jax.random.key(seed)
    num_positions = 2 * MAX_LEN - 1
    relative_bias = jax.random.truncated_normal(
        key, -2.0, 2.0, (NUM_HEADS, num_positions), dtype=jnp.float32) * 0.02
    return {"relative_bias": relative_bias, "seq_len": 2048}


def reference(relative_bias, seq_len):
    static_seq_len = (relative_bias.shape[1] + 1) // 2
    positions = jnp.arange(static_seq_len) + 0 * seq_len
    relative_positions = positions[:, None] - positions[None, :]
    relative_positions = relative_positions + MAX_LEN - 1
    relative_positions = jnp.clip(relative_positions, 0, 2 * MAX_LEN - 2)
    # gather: (num_heads, seq_len, seq_len)
    bias = relative_bias[:, relative_positions]
    return bias

if __name__ == "__main__":
    import jax
    _d = setup_inputs()
    print(jax.jit(kernel)(*tuple(_d.values())))

</pallas_src>

<mosaic_0001>
#map = affine_map<(d0, d1) -> (0, 0, 0, 0)>
module attributes {stable_mosaic.version = 14 : i64} {
  func.func @_body(%arg0: i32, %arg1: i32, %arg2: memref<16x4x8x128xf32, #tpu.memory_space<hbm>>, %arg3: memref<16x256x8x2048xf32, #tpu.memory_space<hbm>>, %arg4: memref<4x8x128xf32, #tpu.memory_space<vmem>>, %arg5: memref<65536xf32, #tpu.memory_space<vmem>>, %arg6: memref<2x8x2048xf32, #tpu.memory_space<vmem>>, %arg7: memref<!tpu.dma_semaphore, #tpu.memory_space<semaphore_mem>>) attributes {dimension_semantics = [#tpu.dimension_semantics<core_parallel>, #tpu.dimension_semantics<subcore_parallel>], iteration_bounds = array<i64: 2, 16>, scalar_prefetch = 0 : i64, scratch_operands = 4 : i64, tpu.core_type = #tpu.core_type<sc_vector_subcore>, window_params = [{transform_indices = #map}, {transform_indices = #map}]} {
    "tpu.region"() ({
      %run_scoped3A = tpu.sem_alloc : memref<!tpu.dma_semaphore, #tpu.memory_space<semaphore_mem>>
      %dma_start3A_94 = arith.constant 0 : i32
      %dma_start3A_95 = arith.constant 0 : i32
      %dma_start3A_96 = arith.constant 0 : i32
      %dma_start3A_97 = tpu.memref_slice %arg2[%arg1, %dma_start3A_94, %dma_start3A_95, %dma_start3A_96] : memref<16x4x8x128xf32, #tpu.memory_space<hbm>> -> memref<1x4x8x128xf32, #tpu.memory_space<hbm>>
      %dma_start3A_98 = tpu.memref_squeeze %dma_start3A_97 : memref<1x4x8x128xf32, #tpu.memory_space<hbm>> -> memref<4x8x128xf32, #tpu.memory_space<hbm>>
      %dma_start3A_99 = arith.constant 0 : i32
      %dma_start3A_100 = arith.constant 0 : i32
      %dma_start3A_101 = arith.constant 0 : i32
      %dma_start3A_102 = tpu.memref_slice %arg2[%arg1, %dma_start3A_99, %dma_start3A_100, %dma_start3A_101] : memref<16x4x8x128xf32, #tpu.memory_space<hbm>> -> memref<1x4x8x128xf32, #tpu.memory_space<hbm>>
      %dma_start3A_103 = tpu.memref_squeeze %dma_start3A_102 : memref<1x4x8x128xf32, #tpu.memory_space<hbm>> -> memref<4x8x128xf32, #tpu.memory_space<hbm>>
      tpu.enqueue_dma source(%dma_start3A_103 : memref<4x8x128xf32, #tpu.memory_space<hbm>>) target(%arg4 : memref<4x8x128xf32, #tpu.memory_space<vmem>>) target_semaphore(%run_scoped3A : memref<!tpu.dma_semaphore, #tpu.memory_space<semaphore_mem>>)
      %dma_wait3A_104 = arith.constant 0 : i32
      %dma_wait3A_105 = arith.constant 0 : i32
      %dma_wait3A_106 = arith.constant 0 : i32
      %dma_wait3A_107 = tpu.memref_slice %arg2[%arg1, %dma_wait3A_104, %dma_wait3A_105, %dma_wait3A_106] : memref<16x4x8x128xf32, #tpu.memory_space<hbm>> -> memref<1x4x8x128xf32, #tpu.memory_space<hbm>>
      %dma_wait3A_108 = tpu.memref_squeeze %dma_wait3A_107 : memref<1x4x8x128xf32, #tpu.memory_space<hbm>> -> memref<4x8x128xf32, #tpu.memory_space<hbm>>
      %dma_wait3A_109 = arith.constant 0 : i32
      %dma_wait3A_110 = arith.constant 0 : i32
      %dma_wait3A_111 = arith.constant 0 : i32
      %dma_wait3A_112 = tpu.memref_slice %arg2[%arg1, %dma_wait3A_109, %dma_wait3A_110, %dma_wait3A_111] : memref<16x4x8x128xf32, #tpu.memory_space<hbm>> -> memref<1x4x8x128xf32, #tpu.memory_space<hbm>>
      %dma_wait3A_113 = tpu.memref_squeeze %dma_wait3A_112 : memref<1x4x8x128xf32, #tpu.memory_space<hbm>> -> memref<4x8x128xf32, #tpu.memory_space<hbm>>
      tpu.wait_dma2 semaphore(%run_scoped3A : memref<!tpu.dma_semaphore, #tpu.memory_space<semaphore_mem>>) src(%dma_wait3A_113 : memref<4x8x128xf32, #tpu.memory_space<hbm>>) dst(%arg4 : memref<4x8x128xf32, #tpu.memory_space<vmem>>)
      tpu.yield
    }) : () -> ()
    %iota3A = tpu.iota {dimensions = array<i32: 0>} : vector<16xi32>
    %parallel_loop3A = arith.constant 0 : i32
    %parallel_loop3A_0 = arith.constant 4096 : i32
    %parallel_loop3A_1 = arith.constant 1 : i32
    scf.for %parallel_loop3A_94 = %parallel_loop3A to %parallel_loop3A_0 step %parallel_loop3A_1  : i32 {
      %parallel_loop3A_95 = arith.constant 8 : i32
      %parallel_loop3A_96 = arith.shrui %parallel_loop3A_94, %parallel_loop3A_95 : i32
      %parallel_loop3A_97 = arith.constant 255 : i32
      %parallel_loop3A_98 = arith.andi %parallel_loop3A_94, %parallel_loop3A_97 : i32
      %parallel_loop3A_99 = arith.constant 16 : i32
      %parallel_loop3A_100 = arith.muli %parallel_loop3A_98, %parallel_loop3A_99 : i32
      %parallel_loop3A_101 = arith.constant 4094 : i32
      %parallel_loop3A_102 = arith.subi %parallel_loop3A_101, %parallel_loop3A_96 : i32
      %parallel_loop3A_103 = vector.broadcast %parallel_loop3A_100 : i32 to vector<16xi32>
      %parallel_loop3A_104 = arith.addi %parallel_loop3A_103, %iota3A : vector<16xi32>
      %parallel_loop3A_105 = vector.broadcast %parallel_loop3A_102 : i32 to vector<16xi32>
      %parallel_loop3A_106 = arith.subi %parallel_loop3A_105, %parallel_loop3A_104 : vector<16xi32>
      %parallel_loop3A_107 = arith.constant 0 : i32
      %parallel_loop3A_108 = vector.broadcast %parallel_loop3A_107 : i32 to vector<16xi32>
      %parallel_loop3A_109 = arith.maxsi %parallel_loop3A_106, %parallel_loop3A_108 : vector<16xi32>
      %parallel_loop3A_110 = arith.constant 10 : i32
      %parallel_loop3A_111 = vector.broadcast %parallel_loop3A_110 : i32 to vector<16xi32>
      %parallel_loop3A_112 = arith.shrui %parallel_loop3A_109, %parallel_loop3A_111 : vector<16xi32>
      %parallel_loop3A_113 = arith.constant 7 : i32
      %parallel_loop3A_114 = vector.broadcast %parallel_loop3A_113 : i32 to vector<16xi32>
      %parallel_loop3A_115 = arith.shrui %parallel_loop3A_109, %parallel_loop3A_114 : vector<16xi32>
      %parallel_loop3A_116 = arith.constant 7 : i32
      %parallel_loop3A_117 = vector.broadcast %parallel_loop3A_116 : i32 to vector<16xi32>
      %parallel_loop3A_118 = arith.andi %parallel_loop3A_115, %parallel_loop3A_117 : vector<16xi32>
      %parallel_loop3A_119 = arith.constant 127 : i32
      %parallel_loop3A_120 = vector.broadcast %parallel_loop3A_119 : i32 to vector<16xi32>
      %parallel_loop3A_121 = arith.andi %parallel_loop3A_109, %parallel_loop3A_120 : vector<16xi32>
      %parallel_loop3A_122 = tpu.vector_load_idx %arg4[%parallel_loop3A_112, %parallel_loop3A_118, %parallel_loop3A_121] : memref<4x8x128xf32, #tpu.memory_space<vmem>>[vector<16xi32>, vector<16xi32>, vector<16xi32>], vector<16xf32>,
      %parallel_loop3A_123 = arith.constant 16 : i32
      %parallel_loop3A_124 = arith.muli %parallel_loop3A_94, %parallel_loop3A_123 : i32
      %parallel_loop3A_125 = arith.index_cast %parallel_loop3A_124 : i32 to index
      %parallel_loop3A_126 = tpu.vector_load %arg5[%parallel_loop3A_125] {strides = array<i32>} : memref<65536xf32, #tpu.memory_space<vmem>>, vector<16xf32>,
      tpu.vector_store %arg5[%parallel_loop3A_125], %parallel_loop3A_122 {strides = array<i32>} : memref<65536xf32, #tpu.memory_space<vmem>>, vector<16xf32>,
    } {sc.loop_unroll_factor = 8 : i64, sc.parallel_access}
    %mul3A = arith.constant 128 : i32
    %mul3A_2 = arith.muli %arg0, %mul3A : i32
    %add3A = arith.constant 0 : i32
    %add3A_3 = arith.addi %mul3A_2, %add3A : i32
    %mul3A_4 = arith.constant 8 : i32
    %mul3A_5 = arith.muli %mul3A_4, %add3A_3 : i32
    %sub3A = arith.constant 2047 : i32
    %sub3A_6 = arith.subi %sub3A, %mul3A_5 : i32
    %parallel_loop3A_7 = arith.constant 0 : i32
    %parallel_loop3A_8 = arith.constant 1024 : i32
    %parallel_loop3A_9 = arith.constant 1 : i32
    scf.for %parallel_loop3A_94 = %parallel_loop3A_7 to %parallel_loop3A_8 step %parallel_loop3A_9  : i32 {
      %parallel_loop3A_95 = arith.constant 7 : i32
      %parallel_loop3A_96 = arith.shrui %parallel_loop3A_94, %parallel_loop3A_95 : i32
      %parallel_loop3A_97 = arith.constant 127 : i32
      %parallel_loop3A_98 = arith.andi %parallel_loop3A_94, %parallel_loop3A_97 : i32
      %parallel_loop3A_99 = arith.constant 16 : i32
      %parallel_loop3A_100 = arith.muli %parallel_loop3A_98, %parallel_loop3A_99 : i32
      %parallel_loop3A_101 = arith.subi %sub3A_6, %parallel_loop3A_96 : i32
      %parallel_loop3A_102 = arith.addi %parallel_loop3A_101, %parallel_loop3A_100 : i32
      %parallel_loop3A_103 = arith.constant 15 : i32
      %parallel_loop3A_104 = arith.andi %parallel_loop3A_102, %parallel_loop3A_103 : i32
      %parallel_loop3A_105 = arith.constant 4096 : i32
      %parallel_loop3A_106 = arith.muli %parallel_loop3A_104, %parallel_loop3A_105 : i32
      %parallel_loop3A_107 = arith.addi %parallel_loop3A_106, %parallel_loop3A_102 : i32
      %parallel_loop3A_108 = arith.subi %parallel_loop3A_107, %parallel_loop3A_104 : i32
      %parallel_loop3A_109 = tpu.assume_multiple %parallel_loop3A_108, 16 : i32
      %parallel_loop3A_110 = arith.index_cast %parallel_loop3A_109 : i32 to index
      %parallel_loop3A_111 = tpu.vector_load %arg5[%parallel_loop3A_110] {strides = array<i32>} : memref<65536xf32, #tpu.memory_space<vmem>>, vector<16xf32>,
      %parallel_loop3A_112 = arith.constant 0 : i32
      %parallel_loop3A_113 = arith.index_cast %parallel_loop3A_112 : i32 to index
      %parallel_loop3A_114 = arith.index_cast %parallel_loop3A_96 : i32 to index
      %parallel_loop3A_115 = arith.index_cast %parallel_loop3A_100 : i32 to index
      %parallel_loop3A_116 = tpu.vector_load %arg6[%parallel_loop3A_113, %parallel_loop3A_114, %parallel_loop3A_115] {strides = array<i32>} : memref<2x8x2048xf32, #tpu.memory_space<vmem>>, vector<16xf32>,
      tpu.vector_store %arg6[%parallel_loop3A_113, %parallel_loop3A_114, %parallel_loop3A_115], %parallel_loop3A_111 {strides = array<i32>} : memref<2x8x2048xf32, #tpu.memory_space<vmem>>, vector<16xf32>,
    } {sc.loop_unroll_factor = 8 : i64, sc.parallel_access}
    %add3A_10 = arith.constant 0 : i32
    %add3A_11 = arith.addi %mul3A_2, %add3A_10 : i32
    %dma_start3A = arith.constant 0 : i32
    %dma_start3A_12 = arith.constant 0 : i32
    %dma_start3A_13 = arith.constant 0 : i32
    %dma_start3A_14 = tpu.memref_slice %arg6[%dma_start3A, %dma_start3A_12, %dma_start3A_13] : memref<2x8x2048xf32, #tpu.memory_space<vmem>> -> memref<1x8x2048xf32, #tpu.memory_space<vmem>>
    %dma_start3A_15 = tpu.memref_squeeze %dma_start3A_14 : memref<1x8x2048xf32, #tpu.memory_space<vmem>> -> memref<8x2048xf32, #tpu.memory_space<vmem>>
    %dma_start3A_16 = arith.constant 0 : i32
    %dma_start3A_17 = arith.constant 0 : i32
    %dma_start3A_18 = tpu.memref_slice %arg3[%arg1, %add3A_11, %dma_start3A_16, %dma_start3A_17] : memref<16x256x8x2048xf32, #tpu.memory_space<hbm>> -> memref<1x1x8x2048xf32, #tpu.memory_space<hbm>>
    %dma_start3A_19 = tpu.memref_squeeze %dma_start3A_18 : memref<1x1x8x2048xf32, #tpu.memory_space<hbm>> -> memref<8x2048xf32, #tpu.memory_space<hbm>>
    %dma_start3A_20 = arith.constant 0 : i32
    %dma_start3A_21 = arith.constant 0 : i32
    %dma_start3A_22 = tpu.memref_slice %arg3[%arg1, %add3A_11, %dma_start3A_20, %dma_start3A_21] : memref<16x256x8x2048xf32, #tpu.memory_space<hbm>> -> memref<1x1x8x2048xf32, #tpu.memory_space<hbm>>
    %dma_start3A_23 = tpu.memref_squeeze %dma_start3A_22 : memref<1x1x8x2048xf32, #tpu.memory_space<hbm>> -> memref<8x2048xf32, #tpu.memory_space<hbm>>
    %dma_start3A_24 = arith.constant 0 : i32
    %dma_start3A_25 = arith.constant 0 : i32
    %dma_start3A_26 = tpu.memref_slice %arg6[%dma_start3A, %dma_start3A_24, %dma_start3A_25] : memref<2x8x2048xf32, #tpu.memory_space<vmem>> -> memref<1x8x2048xf32, #tpu.memory_space<vmem>>
    %dma_start3A_27 = tpu.memref_squeeze %dma_start3A_26 : memref<1x8x2048xf32, #tpu.memory_space<vmem>> -> memref<8x2048xf32, #tpu.memory_space<vmem>>
    tpu.enqueue_dma source(%dma_start3A_27 : memref<8x2048xf32, #tpu.memory_space<vmem>>) target(%dma_start3A_23 : memref<8x2048xf32, #tpu.memory_space<hbm>>) target_semaphore(%arg7 : memref<!tpu.dma_semaphore, #tpu.memory_space<semaphore_mem>>)
    %add3A_28 = arith.constant 1 : i32
    %add3A_29 = arith.addi %mul3A_2, %add3A_28 : i32
    %mul3A_30 = arith.constant 8 : i32
    %mul3A_31 = arith.muli %mul3A_30, %add3A_29 : i32
    %sub3A_32 = arith.constant 2047 : i32
    %sub3A_33 = arith.subi %sub3A_32, %mul3A_31 : i32
    %parallel_loop3A_34 = arith.constant 0 : i32
    %parallel_loop3A_35 = arith.constant 1024 : i32
    %parallel_loop3A_36 = arith.constant 1 : i32
    scf.for %parallel_loop3A_94 = %parallel_loop3A_34 to %parallel_loop3A_35 step %parallel_loop3A_36  : i32 {
      %parallel_loop3A_95 = arith.constant 7 : i32
      %parallel_loop3A_96 = arith.shrui %parallel_loop3A_94, %parallel_loop3A_95 : i32
      %parallel_loop3A_97 = arith.constant 127 : i32
      %parallel_loop3A_98 = arith.andi %parallel_loop3A_94, %parallel_loop3A_97 : i32
      %parallel_loop3A_99 = arith.constant 16 : i32
      %parallel_loop3A_100 = arith.muli %parallel_loop3A_98, %parallel_loop3A_99 : i32
      %parallel_loop3A_101 = arith.subi %sub3A_33, %parallel_loop3A_96 : i32
      %parallel_loop3A_102 = arith.addi %parallel_loop3A_101, %parallel_loop3A_100 : i32
      %parallel_loop3A_103 = arith.constant 15 : i32
      %parallel_loop3A_104 = arith.andi %parallel_loop3A_102, %parallel_loop3A_103 : i32
      %parallel_loop3A_105 = arith.constant 4096 : i32
      %parallel_loop3A_106 = arith.muli %parallel_loop3A_104, %parallel_loop3A_105 : i32
      %parallel_loop3A_107 = arith.addi %parallel_loop3A_106, %parallel_loop3A_102 : i32
      %parallel_loop3A_108 = arith.subi %parallel_loop3A_107, %parallel_loop3A_104 : i32
      %parallel_loop3A_109 = tpu.assume_multiple %parallel_loop3A_108, 16 : i32
      %parallel_loop3A_110 = arith.index_cast %parallel_loop3A_109 : i32 to index
      %parallel_loop3A_111 = tpu.vector_load %arg5[%parallel_loop3A_110] {strides = array<i32>} : memref<65536xf32, #tpu.memory_space<vmem>>, vector<16xf32>,
      %parallel_loop3A_112 = arith.constant 1 : i32
      %parallel_loop3A_113 = arith.index_cast %parallel_loop3A_112 : i32 to index
      %parallel_loop3A_114 = arith.index_cast %parallel_loop3A_96 : i32 to index
      %parallel_loop3A_115 = arith.index_cast %parallel_loop3A_100 : i32 to index
      %parallel_loop3A_116 = tpu.vector_load %arg6[%parallel_loop3A_113, %parallel_loop3A_114, %parallel_loop3A_115] {strides = array<i32>} : memref<2x8x2048xf32, #tpu.memory_space<vmem>>, vector<16xf32>,
      tpu.vector_store %arg6[%parallel_loop3A_113, %parallel_loop3A_114, %parallel_loop3A_115], %parallel_loop3A_111 {strides = array<i32>} : memref<2x8x2048xf32, #tpu.memory_space<vmem>>, vector<16xf32>,
    } {sc.loop_unroll_factor = 8 : i64, sc.parallel_access}
    %add3A_37 = arith.constant 1 : i32
    %add3A_38 = arith.addi %mul3A_2, %add3A_37 : i32
    %dma_start3A_39 = arith.constant 1 : i32
    %dma_start3A_40 = arith.constant 0 : i32
    %dma_start3A_41 = arith.constant 0 : i32
    %dma_start3A_42 = tpu.memref_slice %arg6[%dma_start3A_39, %dma_start3A_40, %dma_start3A_41] : memref<2x8x2048xf32, #tpu.memory_space<vmem>> -> memref<1x8x2048xf32, #tpu.memory_space<vmem>>
    %dma_start3A_43 = tpu.memref_squeeze %dma_start3A_42 : memref<1x8x2048xf32, #tpu.memory_space<vmem>> -> memref<8x2048xf32, #tpu.memory_space<vmem>>
    %dma_start3A_44 = arith.constant 0 : i32
    %dma_start3A_45 = arith.constant 0 : i32
    %dma_start3A_46 = tpu.memref_slice %arg3[%arg1, %add3A_38, %dma_start3A_44, %dma_start3A_45] : memref<16x256x8x2048xf32, #tpu.memory_space<hbm>> -> memref<1x1x8x2048xf32, #tpu.memory_space<hbm>>
    %dma_start3A_47 = tpu.memref_squeeze %dma_start3A_46 : memref<1x1x8x2048xf32, #tpu.memory_space<hbm>> -> memref<8x2048xf32, #tpu.memory_space<hbm>>
    %dma_start3A_48 = arith.constant 0 : i32
    %dma_start3A_49 = arith.constant 0 : i32
    %dma_start3A_50 = tpu.memref_slice %arg3[%arg1, %add3A_38, %dma_start3A_48, %dma_start3A_49] : memref<16x256x8x2048xf32, #tpu.memory_space<hbm>> -> memref<1x1x8x2048xf32, #tpu.memory_space<hbm>>
    %dma_start3A_51 = tpu.memref_squeeze %dma_start3A_50 : memref<1x1x8x2048xf32, #tpu.memory_space<hbm>> -> memref<8x2048xf32, #tpu.memory_space<hbm>>
    %dma_start3A_52 = arith.constant 0 : i32
    %dma_start3A_53 = arith.constant 0 : i32
    %dma_start3A_54 = tpu.memref_slice %arg6[%dma_start3A_39, %dma_start3A_52, %dma_start3A_53] : memref<2x8x2048xf32, #tpu.memory_space<vmem>> -> memref<1x8x2048xf32, #tpu.memory_space<vmem>>
    %dma_start3A_55 = tpu.memref_squeeze %dma_start3A_54 : memref<1x8x2048xf32, #tpu.memory_space<vmem>> -> memref<8x2048xf32, #tpu.memory_space<vmem>>
    tpu.enqueue_dma source(%dma_start3A_55 : memref<8x2048xf32, #tpu.memory_space<vmem>>) target(%dma_start3A_51 : memref<8x2048xf32, #tpu.memory_space<hbm>>) target_semaphore(%arg7 : memref<!tpu.dma_semaphore, #tpu.memory_space<semaphore_mem>>)
    %scan3A = arith.constant 0 : i32
    %scan3A_56 = arith.constant 2 : i32
    %scan3A_57 = arith.constant 126 : i32
    %scan3A_58 = arith.addi %scan3A_56, %scan3A_57 : i32
    %scan3A_59 = arith.constant 1 : i32
    scf.for %scan3A_94 = %scan3A_56 to %scan3A_58 step %scan3A_59  : i32 {
      %and3A = arith.constant 1 : i32
      %and3A_95 = arith.andi %scan3A_94, %and3A : i32
      %dma_wait3A_96 = arith.constant 0 : i32
      %dma_wait3A_97 = arith.constant 0 : i32
      %dma_wait3A_98 = arith.constant 0 : i32
      %dma_wait3A_99 = tpu.memref_slice %arg6[%dma_wait3A_96, %dma_wait3A_97, %dma_wait3A_98] : memref<2x8x2048xf32, #tpu.memory_space<vmem>> -> memref<1x8x2048xf32, #tpu.memory_space<vmem>>
      %dma_wait3A_100 = tpu.memref_squeeze %dma_wait3A_99 : memref<1x8x2048xf32, #tpu.memory_space<vmem>> -> memref<8x2048xf32, #tpu.memory_space<vmem>>
      %dma_wait3A_101 = arith.constant 0 : i32
      %dma_wait3A_102 = arith.constant 0 : i32
      %dma_wait3A_103 = tpu.memref_slice %arg3[%arg1, %mul3A_2, %dma_wait3A_101, %dma_wait3A_102] : memref<16x256x8x2048xf32, #tpu.memory_space<hbm>> -> memref<1x1x8x2048xf32, #tpu.memory_space<hbm>>
      %dma_wait3A_104 = tpu.memref_squeeze %dma_wait3A_103 : memref<1x1x8x2048xf32, #tpu.memory_space<hbm>> -> memref<8x2048xf32, #tpu.memory_space<hbm>>
      %dma_wait3A_105 = arith.constant 0 : i32
      %dma_wait3A_106 = arith.constant 0 : i32
      %dma_wait3A_107 = tpu.memref_slice %arg3[%arg1, %mul3A_2, %dma_wait3A_105, %dma_wait3A_106] : memref<16x256x8x2048xf32, #tpu.memory_space<hbm>> -> memref<1x1x8x2048xf32, #tpu.memory_space<hbm>>
      %dma_wait3A_108 = tpu.memref_squeeze %dma_wait3A_107 : memref<1x1x8x2048xf32, #tpu.memory_space<hbm>> -> memref<8x2048xf32, #tpu.memory_space<hbm>>
      %dma_wait3A_109 = arith.constant 0 : i32
      %dma_wait3A_110 = arith.constant 0 : i32
      %dma_wait3A_111 = tpu.memref_slice %arg6[%dma_wait3A_96, %dma_wait3A_109, %dma_wait3A_110] : memref<2x8x2048xf32, #tpu.memory_space<vmem>> -> memref<1x8x2048xf32, #tpu.memory_space<vmem>>
      %dma_wait3A_112 = tpu.memref_squeeze %dma_wait3A_111 : memref<1x8x2048xf32, #tpu.memory_space<vmem>> -> memref<8x2048xf32, #tpu.memory_space<vmem>>
      tpu.wait_dma2 semaphore(%arg7 : memref<!tpu.dma_semaphore, #tpu.memory_space<semaphore_mem>>) src(%dma_wait3A_112 : memref<8x2048xf32, #tpu.memory_space<vmem>>) dst(%dma_wait3A_108 : memref<8x2048xf32, #tpu.memory_space<hbm>>)
      %add3A_113 = arith.addi %mul3A_2, %scan3A_94 : i32
      %mul3A_114 = arith.constant 8 : i32
      %mul3A_115 = arith.muli %mul3A_114, %add3A_113 : i32
      %sub3A_116 = arith.constant 2047 : i32
      %sub3A_117 = arith.subi %sub3A_116, %mul3A_115 : i32
      %parallel_loop3A_118 = arith.constant 0 : i32
      %parallel_loop3A_119 = arith.constant 1024 : i32
      %parallel_loop3A_120 = arith.constant 1 : i32
      scf.for %parallel_loop3A_138 = %parallel_loop3A_118 to %parallel_loop3A_119 step %parallel_loop3A_120  : i32 {
        %parallel_loop3A_139 = arith.constant 7 : i32
        %parallel_loop3A_140 = arith.shrui %parallel_loop3A_138, %parallel_loop3A_139 : i32
        %parallel_loop3A_141 = arith.constant 127 : i32
        %parallel_loop3A_142 = arith.andi %parallel_loop3A_138, %parallel_loop3A_141 : i32
        %parallel_loop3A_143 = arith.constant 16 : i32
        %parallel_loop3A_144 = arith.muli %parallel_loop3A_142, %parallel_loop3A_143 : i32
        %parallel_loop3A_145 = arith.subi %sub3A_117, %parallel_loop3A_140 : i32
        %parallel_loop3A_146 = arith.addi %parallel_loop3A_145, %parallel_loop3A_144 : i32
        %parallel_loop3A_147 = arith.constant 15 : i32
        %parallel_loop3A_148 = arith.andi %parallel_loop3A_146, %parallel_loop3A_147 : i32
        %parallel_loop3A_149 = arith.constant 4096 : i32
        %parallel_loop3A_150 = arith.muli %parallel_loop3A_148, %parallel_loop3A_149 : i32
        %parallel_loop3A_151 = arith.addi %parallel_loop3A_150, %parallel_loop3A_146 : i32
        %parallel_loop3A_152 = arith.subi %parallel_loop3A_151, %parallel_loop3A_148 : i32
        %parallel_loop3A_153 = tpu.assume_multiple %parallel_loop3A_152, 16 : i32
        %parallel_loop3A_154 = arith.index_cast %parallel_loop3A_153 : i32 to index
        %parallel_loop3A_155 = tpu.vector_load %arg5[%parallel_loop3A_154] {strides = array<i32>} : memref<65536xf32, #tpu.memory_space<vmem>>, vector<16xf32>,
        %parallel_loop3A_156 = arith.index_cast %and3A_95 : i32 to index
        %parallel_loop3A_157 = arith.index_cast %parallel_loop3A_140 : i32 to index
        %parallel_loop3A_158 = arith.index_cast %parallel_loop3A_144 : i32 to index
        %parallel_loop3A_159 = tpu.vector_load %arg6[%parallel_loop3A_156, %parallel_loop3A_157, %parallel_loop3A_158] {strides = array<i32>} : memref<2x8x2048xf32, #tpu.memory_space<vmem>>, vector<16xf32>,
        tpu.vector_store %arg6[%parallel_loop3A_156, %parallel_loop3A_157, %parallel_loop3A_158], %parallel_loop3A_155 {strides = array<i32>} : memref<2x8x2048xf32, #tpu.memory_space<vmem>>, vector<16xf32>,
      } {sc.loop_unroll_factor = 8 : i64, sc.parallel_access}
      %add3A_121 = arith.addi %mul3A_2, %scan3A_94 : i32
      %dma_start3A_122 = arith.constant 0 : i32
      %dma_start3A_123 = arith.constant 0 : i32
      %dma_start3A_124 = tpu.memref_slice %arg6[%and3A_95, %dma_start3A_122, %dma_start3A_123] : memref<2x8x2048xf32, #tpu.memory_space<vmem>> -> memref<1x8x2048xf32, #tpu.memory_space<vmem>>
      %dma_start3A_125 = tpu.memref_squeeze %dma_start3A_124 : memref<1x8x2048xf32, #tpu.memory_space<vmem>> -> memref<8x2048xf32, #tpu.memory_space<vmem>>
      %dma_start3A_126 = arith.constant 0 : i32
      %dma_start3A_127 = arith.constant 0 : i32
      %dma_start3A_128 = tpu.memref_slice %arg3[%arg1, %add3A_121, %dma_start3A_126, %dma_start3A_127] : memref<16x256x8x2048xf32, #tpu.memory_space<hbm>> -> memref<1x1x8x2048xf32, #tpu.memory_space<hbm>>
      %dma_start3A_129 = tpu.memref_squeeze %dma_start3A_128 : memref<1x1x8x2048xf32, #tpu.memory_space<hbm>> -> memref<8x2048xf32, #tpu.memory_space<hbm>>
      %dma_start3A_130 = arith.constant 0 : i32
      %dma_start3A_131 = arith.constant 0 : i32
      %dma_start3A_132 = tpu.memref_slice %arg3[%arg1, %add3A_121, %dma_start3A_130, %dma_start3A_131] : memref<16x256x8x2048xf32, #tpu.memory_space<hbm>> -> memref<1x1x8x2048xf32, #tpu.memory_space<hbm>>
      %dma_start3A_133 = tpu.memref_squeeze %dma_start3A_132 : memref<1x1x8x2048xf32, #tpu.memory_space<hbm>> -> memref<8x2048xf32, #tpu.memory_space<hbm>>
      %dma_start3A_134 = arith.constant 0 : i32
      %dma_start3A_135 = arith.constant 0 : i32
      %dma_start3A_136 = tpu.memref_slice %arg6[%and3A_95, %dma_start3A_134, %dma_start3A_135] : memref<2x8x2048xf32, #tpu.memory_space<vmem>> -> memref<1x8x2048xf32, #tpu.memory_space<vmem>>
      %dma_start3A_137 = tpu.memref_squeeze %dma_start3A_136 : memref<1x8x2048xf32, #tpu.memory_space<vmem>> -> memref<8x2048xf32, #tpu.memory_space<vmem>>
      tpu.enqueue_dma source(%dma_start3A_137 : memref<8x2048xf32, #tpu.memory_space<vmem>>) target(%dma_start3A_133 : memref<8x2048xf32, #tpu.memory_space<hbm>>) target_semaphore(%arg7 : memref<!tpu.dma_semaphore, #tpu.memory_space<semaphore_mem>>)
    }
    %scan3A_60 = arith.constant 126 : i32
    %dma_wait3A = arith.constant 0 : i32
    %dma_wait3A_61 = arith.constant 0 : i32
    %dma_wait3A_62 = arith.constant 0 : i32
    %dma_wait3A_63 = tpu.memref_slice %arg6[%dma_wait3A, %dma_wait3A_61, %dma_wait3A_62] : memref<2x8x2048xf32, #tpu.memory_space<vmem>> -> memref<1x8x2048xf32, #tpu.memory_space<vmem>>
    %dma_wait3A_64 = tpu.memref_squeeze %dma_wait3A_63 : memref<1x8x2048xf32, #tpu.memory_space<vmem>> -> memref<8x2048xf32, #tpu.memory_space<vmem>>
    %dma_wait3A_65 = arith.constant 0 : i32
    %dma_wait3A_66 = arith.constant 0 : i32
    %dma_wait3A_67 = tpu.memref_slice %arg3[%arg1, %mul3A_2, %dma_wait3A_65, %dma_wait3A_66] : memref<16x256x8x2048xf32, #tpu.memory_space<hbm>> -> memref<1x1x8x2048xf32, #tpu.memory_space<hbm>>
    %dma_wait3A_68 = tpu.memref_squeeze %dma_wait3A_67 : memref<1x1x8x2048xf32, #tpu.memory_space<hbm>> -> memref<8x2048xf32, #tpu.memory_space<hbm>>
    %dma_wait3A_69 = arith.constant 0 : i32
    %dma_wait3A_70 = arith.constant 0 : i32
    %dma_wait3A_71 = tpu.memref_slice %arg3[%arg1, %mul3A_2, %dma_wait3A_69, %dma_wait3A_70] : memref<16x256x8x2048xf32, #tpu.memory_space<hbm>> -> memref<1x1x8x2048xf32, #tpu.memory_space<hbm>>
    %dma_wait3A_72 = tpu.memref_squeeze %dma_wait3A_71 : memref<1x1x8x2048xf32, #tpu.memory_space<hbm>> -> memref<8x2048xf32, #tpu.memory_space<hbm>>
    %dma_wait3A_73 = arith.constant 0 : i32
    %dma_wait3A_74 = arith.constant 0 : i32
    %dma_wait3A_75 = tpu.memref_slice %arg6[%dma_wait3A, %dma_wait3A_73, %dma_wait3A_74] : memref<2x8x2048xf32, #tpu.memory_space<vmem>> -> memref<1x8x2048xf32, #tpu.memory_space<vmem>>
    %dma_wait3A_76 = tpu.memref_squeeze %dma_wait3A_75 : memref<1x8x2048xf32, #tpu.memory_space<vmem>> -> memref<8x2048xf32, #tpu.memory_space<vmem>>
    tpu.wait_dma2 semaphore(%arg7 : memref<!tpu.dma_semaphore, #tpu.memory_space<semaphore_mem>>) src(%dma_wait3A_76 : memref<8x2048xf32, #tpu.memory_space<vmem>>) dst(%dma_wait3A_72 : memref<8x2048xf32, #tpu.memory_space<hbm>>)
    %dma_wait3A_77 = arith.constant 0 : i32
    %dma_wait3A_78 = arith.constant 0 : i32
    %dma_wait3A_79 = arith.constant 0 : i32
    %dma_wait3A_80 = tpu.memref_slice %arg6[%dma_wait3A_77, %dma_wait3A_78, %dma_wait3A_79] : memref<2x8x2048xf32, #tpu.memory_space<vmem>> -> memref<1x8x2048xf32, #tpu.memory_space<vmem>>
    %dma_wait3A_81 = tpu.memref_squeeze %dma_wait3A_80 : memref<1x8x2048xf32, #tpu.memory_space<vmem>> -> memref<8x2048xf32, #tpu.memory_space<vmem>>
    %dma_wait3A_82 = arith.constant 0 : i32
    %dma_wait3A_83 = arith.constant 0 : i32
    %dma_wait3A_84 = tpu.memref_slice %arg3[%arg1, %mul3A_2, %dma_wait3A_82, %dma_wait3A_83] : memref<16x256x8x2048xf32, #tpu.memory_space<hbm>> -> memref<1x1x8x2048xf32, #tpu.memory_space<hbm>>
    %dma_wait3A_85 = tpu.memref_squeeze %dma_wait3A_84 : memref<1x1x8x2048xf32, #tpu.memory_space<hbm>> -> memref<8x2048xf32, #tpu.memory_space<hbm>>
    %dma_wait3A_86 = arith.constant 0 : i32
    %dma_wait3A_87 = arith.constant 0 : i32
    %dma_wait3A_88 = tpu.memref_slice %arg3[%arg1, %mul3A_2, %dma_wait3A_86, %dma_wait3A_87] : memref<16x256x8x2048xf32, #tpu.memory_space<hbm>> -> memref<1x1x8x2048xf32, #tpu.memory_space<hbm>>
    %dma_wait3A_89 = tpu.memref_squeeze %dma_wait3A_88 : memref<1x1x8x2048xf32, #tpu.memory_space<hbm>> -> memref<8x2048xf32, #tpu.memory_space<hbm>>
    %dma_wait3A_90 = arith.constant 0 : i32
    %dma_wait3A_91 = arith.constant 0 : i32
    %dma_wait3A_92 = tpu.memref_slice %arg6[%dma_wait3A_77, %dma_wait3A_90, %dma_wait3A_91] : memref<2x8x2048xf32, #tpu.memory_space<vmem>> -> memref<1x8x2048xf32, #tpu.memory_space<vmem>>
    %dma_wait3A_93 = tpu.memref_squeeze %dma_wait3A_92 : memref<1x8x2048xf32, #tpu.memory_space<vmem>> -> memref<8x2048xf32, #tpu.memory_space<vmem>>
    tpu.wait_dma2 semaphore(%arg7 : memref<!tpu.dma_semaphore, #tpu.memory_space<semaphore_mem>>) src(%dma_wait3A_93 : memref<8x2048xf32, #tpu.memory_space<vmem>>) dst(%dma_wait3A_89 : memref<8x2048xf32, #tpu.memory_space<hbm>>)
    return
  }
}

</mosaic_0001>

<sc_bundles>
// kernel: kernel.3.cloned.1.call-start
scs
__scs_entry_jumppad:
0x0: {  	(pc) =	sbr.rel $0x88, $3  }
0x1: {  	(tag) =	ssettag $0x0;
	lr =	simm.s32 $0x1  }
0x2: {  	[smem:$0x3FA0] =	sst lr;
	_ =	strace $0xD0000000  }
0x3: {  	_ = 	snop  }
0x4: {  	_ = 	snop  }
0x5: {  	_ = 	snop  }
0x6: {  	_ = 	snop  }
0x7: {  	_ = 	snop  }
__scs_overlays_trampoline_lowered:
0x8: {  	[smem:$0x3FAF] =	sst s0  }
0x9: {  	[smem:$0x3FB0] =	sst s1  }
0xa: {  	[smem:$0x3FB1] =	sst s2  }
0xb: {  	[smem:$0x3FB2] =	sst s3  }
0xc: {  	[smem:$0x3FB3] =	sst s4  }
0xd: {  	[smem:$0x3FB4] =	sst s5  }
0xe: {  	[smem:$0x3FB5] =	sst s6  }
0xf: {  	[smem:$0x3FB6] =	sst s7  }
0x10: {  	[smem:$0x3FB7] =	sst s8  }
0x11: {  	[smem:$0x3FB8] =	sst s9;
	s0 =	simm.s32 @!p0 $0x0  }
0x12: {  	s1 =	sld [smem:$0x3F9E];
	s0 =	simm.s32 @p0 $0x1  }
0x13: {  	[smem:$0x3FB9] =	sst s0;
	s0 =	simm.s32 @!p1 $0x0  }
0x14: {  	s2 =	sld [smem:$0x3F9D];
	s0 =	simm.s32 @p1 $0x1  }
0x15: {  	[smem:$0x3FBA] =	sst s0;
	s0 =	simm.s32 @!p2 $0x0  }
0x16: {  	s3 =	sld [smem:$0x3FDB];
	s0 =	simm.s32 @p2 $0x1  }
0x17: {  	s4 =	simm.s32 $0x1BF5;
	[smem:$0x3FBC] =	sst s0  }
0x18: {  	s0 =	sld [smem:$0x3F9F];
	_ =	swait.ge [sflag:s4], $0x0  }
0x19: {  	s7 =	sld [smem:$0x3FA0]  }
0x1a: {  	s8 =	sadd.s32 $0xFFFFE003, lr  }
0x1b: {  	s9 =	sadd.s32 $0xFFFFFEF7, lr;
	s5 =	simm.s32 $0xFFFFFFFF;
	p2 =	slt.u32 s8, $0xFFFFF086  }
0x1c: {  	p1 =	slt.u32 s9, $0xF7A;
	s5 =	simm.s32 @!p2 $0x0  }
0x1d: {  	s5 =	simm.s32 @p1 $0x1;
	p0 =	seq.s32 s7, s2  }
0x1e: {  	s7 =	smul.u32 @!p0 $0xF7A, s2;
	p2 =	seq.s32 @!p0 s5, $0x0  }
0x1f: {  	s9 =	smul.u32 $0xF7A, s1;
	s8 =	simm.s32 @!p0 $0x1BF5;
	p2 =	por !p2, p0  }
0x20: {  	[sflag:s8] =	ssyncset.s32 @!p0 $0xFFFFF086;
	s6 =	sadd.s32 @!p0 s3, s7;
	s7 =	simm.s32 @!p0 $0x108  }
0x21: {  	s3 =	sadd.s32 s3, s9;
	s6 =	sadd.s32 @!p0 $0x88, s6;
	s7 =	simm.s32 @p2 $0x1082  }
0x22: {  	[simem:s7], [sflag:s8] =	dma.local @!p0 [hbm:s6], $0xF7A  }
0x23: {  	s9 =	sor.u32 $0xD0000000, s2;
	s6 =	simm.s32 $0x108;
	_ =	swait.ge @!p0 [sflag:s8], $0x0  }
0x24: {  	s3 =	sadd.s32 $0x88, s3;
	s6 =	simm.s32 @!p1 $0x1082;
	[sflag:s4] =	ssyncset.s32 $0xFFFFF086  }
0x25: {  	[simem:s6], [sflag:s4] =	dma.local [hbm:s3], $0xF7A  }
0x26: {  	[smem:$0x3FA0] =	sst s1;
	(tag) =	ssettag s2;
	_ =	strace s9  }
0x27: {  	s1 =	sld [smem:$0x3FB0]  }
0x28: {  	s2 =	sld [smem:$0x3FB1]  }
0x29: {  	s4 =	sld [smem:$0x3FB3]  }
0x2a: {  	p0 =	seq.s32 s5, $0x0;
	s5 =	sld [smem:$0x3FB4]  }
0x2b: {  	s6 =	sld [smem:$0x3FB5]  }
0x2c: {  	s7 =	sld [smem:$0x3FB6]  }
0x2d: {  	s3 =	simm.s32 $0x108;
	s8 =	sld [smem:$0x3FB7]  }
0x2e: {  	s3 =	simm.s32 @!p0 $0x1082;
	s9 =	sld [smem:$0x3FB8]  }
0x2f: {  	lr =	sadd.s32 s0, s3;
	s0 =	sld [smem:$0x3FAF]  }
0x30: {  	s3 =	sld [smem:$0x3FB2]  }
0x31: {  	[smem:$0x3FBB] =	sst s10  }
0x32: {  	s10 =	sld [smem:$0x3FB9];
	_ =	sdelay $0x3  }
0x33: {  	p0 =	seq.s32 s10, $0x1;
	s10 =	sld [smem:$0x3FBB];
	_ =	sdelay $0x3  }
0x34: {  	[smem:$0x3FBB] =	sst s10  }
0x35: {  	s10 =	sld [smem:$0x3FBA];
	_ =	sdelay $0x3  }
0x36: {  	p1 =	seq.s32 s10, $0x1;
	s10 =	sld [smem:$0x3FBB];
	_ =	sdelay $0x3  }
0x37: {  	[smem:$0x3FBB] =	sst s10  }
0x38: {  	s10 =	sld [smem:$0x3FBC]  }
0x39: {  	_ = 	snop;
	(pc) =	sbr.ind lr, $3  }
0x3a: {  	_ = 	snop  }
0x3b: {  	_ = 	snop  }
0x3c: {  	p2 =	seq.s32 s10, $0x1;
	s10 =	sld [smem:$0x3FBB]  }
0x3d: {  	_ =	shalt  }
0x3e: {  	_ =	shalt  }
0x3f: {  	_ =	shalt  }
0x40: {  	_ =	shalt  }
0x41: {  	_ =	shalt  }
0x42: {  	_ =	shalt  }
0x43: {  	_ =	shalt  }
0x44: {  	_ =	shalt  }
0x45: {  	_ =	shalt  }
0x46: {  	_ =	shalt  }
0x47: {  	_ =	shalt  }
0x48: {  	_ =	shalt  }
0x49: {  	_ =	shalt  }
0x4a: {  	_ =	shalt  }
0x4b: {  	_ =	shalt  }
0x4c: {  	_ =	shalt  }
0x4d: {  	_ =	shalt  }
0x4e: {  	_ =	shalt  }
0x4f: {  	_ =	shalt  }
0x50: {  	_ =	shalt  }
0x51: {  	_ =	shalt  }
0x52: {  	_ =	shalt  }
0x53: {  	_ =	shalt  }
0x54: {  	_ =	shalt  }
0x55: {  	_ =	shalt  }
0x56: {  	_ =	shalt  }
0x57: {  	_ =	shalt  }
0x58: {  	_ =	shalt  }
0x59: {  	_ =	shalt  }
0x5a: {  	_ =	shalt  }
0x5b: {  	_ =	shalt  }
0x5c: {  	_ =	shalt  }
0x5d: {  	_ =	shalt  }
0x5e: {  	_ =	shalt  }
0x5f: {  	_ =	shalt  }
0x60: {  	_ =	shalt  }
0x61: {  	_ =	shalt  }
0x62: {  	_ =	shalt  }
0x63: {  	_ =	shalt  }
0x64: {  	_ =	shalt  }
0x65: {  	_ =	shalt  }
0x66: {  	_ =	shalt  }
0x67: {  	_ =	shalt  }
0x68: {  	_ =	shalt  }
0x69: {  	_ =	shalt  }
0x6a: {  	_ =	shalt  }
0x6b: {  	_ =	shalt  }
0x6c: {  	_ =	shalt  }
0x6d: {  	_ =	shalt  }
0x6e: {  	_ =	shalt  }
0x6f: {  	_ =	shalt  }
0x70: {  	_ =	shalt  }
0x71: {  	_ =	shalt  }
0x72: {  	_ =	shalt  }
0x73: {  	_ =	shalt  }
0x74: {  	_ =	shalt  }
0x75: {  	_ =	shalt  }
0x76: {  	_ =	shalt  }
0x77: {  	_ =	shalt  }
0x78: {  	_ =	shalt  }
0x79: {  	_ =	shalt  }
0x7a: {  	_ =	shalt  }
0x7b: {  	_ =	shalt  }
0x7c: {  	_ =	shalt  }
0x7d: {  	_ =	shalt  }
0x7e: {  	_ =	shalt  }
0x7f: {  	_ =	shalt  }
0x80: {  	_ =	shalt  }
0x81: {  	_ =	shalt  }
0x82: {  	_ =	shalt  }
0x83: {  	_ =	shalt  }
0x84: {  	_ =	shalt  }
0x85: {  	_ =	shalt  }
0x86: {  	_ =	shalt  }
0x87: {  	_ =	shalt  }
.Lfunc_end0:
.L_simem_size_0:
called_computation_lowered:
.L_overlay_start_0:
0x88: {  	s2 =	sld [smem:$0x3FD9]  }
0x89: {  	s3 =	sld [smem:$0x3FFE];
	_ =	sdelay $0x1  }
0x8a: {  	s1 =	srdreg.scid  }
0x8b: {  	s0 =	sand.u32 $0x1, s1  }
0x8c: {  	s17 =	sshll.u32 s0, $0xA;
	s2 =	sadd.s32 s3, s2  }
0x8d: {  	s2 =	sadd.s32 s2, s17  }
0x8e: {  	[smem:$0x3FC7] =	sst s2  }
0x8f: {  	_ = 	snop  }
0x90: {  	s2 =	sld [smem:$0x3FD0];
	(tm) =	ssettm $0x1  }
0x91: {  	s18 =	sld [smem:$0x3FFB];
	_ =	sdelay $0x3  }
0x92: {  	_ =	strace s18  }
0x93: {  	s3 =	sld [smem:$0x3FFC];
	_ =	sdelay $0x3  }
0x94: {  	_ =	strace s3  }
0x95: {  	s3 =	sld [smem:$0x3FFD];
	_ =	sdelay $0x3  }
0x96: {  	_ =	strace s3  }
0x97: {  	_ =	strace $0x8FFFFFFF  }
0x98: {  	s19 =	sld [smem:$0x3FDB];
	_ =	sdelay $0x1  }
0x99: {  	s4 =	simm.s32 $_scs_section_size  }
0x9a: {  	s5 =	simm.s32 $_size__tile_overlayer_lowered;
	s6 =	simm.s32 $_tile_overlayer_lowered  }
0x9b: {  	s22 =	simm.s32 $0x1BFF;
	s21 =	sshll.u32 s6, $0x1;
	s3 =	sadd.s32 s4, s19  }
0x9c: {  	s7 =	simm.s32 $0x0;
	s20 =	sshll.u32 s5, $0x1;
	s5 =	sadd.s32 s21, s3  }
0x9d: {  	[timem:s7], [sflag:s22] =	dma.local [hbm:s5], s20  }
0x9e: {  	_ =	swait.ge [sflag:s22], s20  }
0x9f: {  	s4 =	ssub.s32 $0x0, s20;
	[sflag:s22] =	ssyncset.done $0x0  }
0xa0: {  	[sflag:s22] =	ssyncadd.s32 s4;
	_ =	sdelay $0x1  }
0xa1: {  	s23 =	simm.s32 $0x1B8B  }
0xa2: {  	_ =	swait.ge [sflag:s23], $0x1  }
0xa3: {  	[sflag:s23] =	ssyncset.done $0x0  }
0xa4: {  	s25 =	simm.s32 $0x1B8E;
	s24 =	sld [smem:$0x3FFE];
	[sflag:s23] =	ssyncadd.s32 $0xFFFFFFFF  }
0xa5: {  	s26 =	simm.s32 $execute0_lowered;
	[smem:$0x3FD2] =	sst s25  }
0xa6: {  	s5 =	sshll.u32 s26, $0x1;
	_ =	strace $0x80000046;
	[dreg:$0x1] =	wrdreg $0xFFFFFFFF  }
0xa7: {  	s28 =	simm.s32 $_size_execute0_lowered;
	s3 =	sadd.s32 s3, s5;
	[dreg:$0x0] =	wrdreg $0x0  }
0xa8: {  	s5 =	sshll.u32 s28, $0x1;
	[dreg:$0x2] =	wrdreg s3  }
0xa9: {  	[dreg:$0x3] =	wrdreg s5  }
0xaa: {  	[dreg:$0x4] =	wrdreg $0xC0  }
0xab: {  	_ =	task [dreg:s7], $0x5FFFF  }
0xac: {  	[dreg:$0x1] =	wrdreg $0xFFFFFFFF  }
0xad: {  	[dreg:$0x0] =	wrdreg $0x60  }
0xae: {  	[dreg:$0x2] =	wrdreg s24  }
0xaf: {  	[dreg:$0x3] =	wrdreg s2  }
0xb0: {  	[dreg:$0x4] =	wrdreg $0x9  }
0xb1: {  	_ =	task.clear_ibuf [dreg:s7], $0x5FFFF;
	_ =	strace $0x90000046  }
0xb2: {  	s29 =	simm.s32 $0x9;
	_ =	strace $0x80000048  }
0xb3: {  	_ =	swait.ge [sflag:s29], $0x1  }
0xb4: {  	[sflag:s29] =	ssyncadd.s32 $0xFFFFFFFF  }
0xb5: {  	_ =	strace $0x90000048  }
0xb6: {  	_ =	sfence  }
0xb7: {  	s30 =	sld [smem:$0x0];
	_ =	sdelay $0x2  }
0xb8: {  	s31 =	sshll.u32 s1, $0xD;
	s1 =	sshrl.u32 s1, $0x2  }
0xb9: {  	s3 =	sand.u32 $0x4000, s31;
	s1 =	sadd.s32 s1, s30  }
0xba: {  	s0 =	sor.u32 s3, s0;
	s1 =	sshll.u32 s1, $0x11  }
0xbb: {  	s0 =	sor.u32 s1, s0  }
0xbc: {  	s0 =	sadd.s32 $0x8F2B, s0  }
0xbd: {  	[sflag:s0] =	ssyncadd.remote.s32 $0x1  }
0xbe: {  	_ =	sfence.sel $0xFFFF  }
0xbf: {  	[dreg:$0x0] =	wrdreg $0xFFFFFFFF;
	(pc) =	sbr.abs _section_cstart, $3  }
0xc0: {  	[dreg:$0x1] =	wrdreg $0xFFFFFFFF  }
0xc1: {  	_ =	task.clear_ibuf [dreg:s7], $0x2FFFF;
	_ =	strace $0x9FFFFFFF  }
0xc2: {  	(tm) =	ssettm $0x7FFFFFFF  }
0xc3: {  	_ =	shalt  }
tec
execute0_lowered:
.L_overlay_start_1:
0x0: {  	(tag) =	ssettag $0x1  }
0x1: {  	s4 =	rddreg [dreg:$0x0]  }
0x2: {  	s1 =	rddreg [dreg:$0x1];
	s2 =	srdreg.scid  }
0x3: {  	s0 =	rddreg [dreg:$0x2];
	s3 =	simm.s32 $0x0;
	s13 =	simm.s32 $0x11000  }
0x4: {  	s14 =	simm.s32 $0x15000;
	s15 =	simm.s32 $0x1;
	s16 =	simm.s32 $0x0  }
0x5: {  	s7 =	sand.u32 $0x1, s2;
	[smem:$0x7FF] =	sst s3;
	s2 =	stileid.u32  }
0x6: {  	s5 =	ssub.s32 $0x2, s7;
	_ =	strace $0x80000047;
	s6 =	sshll.u32 s2, $0x9  }
0x7: {  	s29 =	sshll.u32 s7, $0xA;
	s10 =	sshll.u32 s7, $0x15;
	s8 =	sshrl.u32 s5, $0x1  }
0x8: {  	s6 =	sadd.s32 s6, s4;
	s4 =	sshll.u32 s7, $0x7;
	s11 =	ssub.s32 s5, s8  }
0x9: {  	s5 =	sadd.s32 $0x400, s6;
	s9 =	sor.u32 $0x1, s4;
	s6 =	sshll.u32 s2, $0x16  }
0xa: {  	s7 =	sxor.u32 $0x7FF, s29;
	s12 =	sshll.u32 s9, $0xE;
	s30 =	sor.u32 s10, s6  }
0xb: {  	s9 =	sshll.u32 s9, $0x3;
	s11 =	smax.u32 s11, $0x1;
	s31 =	sor.u32 s6, s12  }
0xc: {  	v0 =	vlaneseq.u32;
	s8 =	sshrl.u32 s30, $0x3;
	s9 =	sxor.u32 $0x7FF, s9;
	s10 =	sshrl.u32 s31, $0x3  }
0xd: {  	v0 =	vmul.u32 $0xFFFFFFFF, v0;
	s12 =	simm.s32 $0x2;
	s8 =	sadd.s32 s1, s8;
	s10 =	sadd.s32 s1, s10  }
.LBB2_1:
0xe: {  	s17 =	sand.u32 $0xF80, s3  }
0xf: {  	s17 =	sadd.s32 $0x0, s17  }
0x10: {  	s18 =	ssub.s32 $0xFFE, s17;
	s19 =	ssub.s32 $0xF8E, s17  }
0x11: {  	s22 =	ssub.s32 $0xFEE, s17;
	v1 =	vadd.s32 s18, v0;
	v2 =	vadd.s32 s19, v0  }
0x12: {  	[tilespmem:s3], [sflag:$0x2] =	stream.linear.gather [hbm4b:s5+s3], $0x1000, $0x38;
	v3 =	vadd.s32 s22, v0;
	vm0 =	vgt.s32 v2, $0x0;
	[tilespmem:$0x19000] =	vst v63  }
0x13: {  	_ =	swait.ge [sflag:s12], $0x1000;
	s24 =	ssub.s32 $0xFAE, s17;
	v2 =	vnsel vm0, $0x0, v2  }
0x14: {  	[sflag:s12] =	ssyncset.done $0x0;
	s20 =	ssub.s32 $0xFCE, s17;
	v5 =	vadd.s32 s24, v0  }
0x15: {  	s23 =	ssub.s32 $0xF9E, s17;
	s25 =	ssub.s32 $0xFDE, s17;
	[sflag:s12] =	ssyncadd.s32 $0xFFFFF000;
	v7 =	vadd.s32 s20, v0  }
0x16: {  	s17 =	ssub.s32 $0xFBE, s17;
	v4 =	vadd.s32 s23, v0;
	s18 =	simm.s32 $0x80;
	v11 =	vadd.s32 s25, v0;
	v9 =	vld.idx.msk [tilespmem:v1+s3+$0x0], $0xffff  }
0x17: {  	v15 =	vadd.s32 s17, v0;
	vm14 =	vgt.s32 v4, $0x0;
	s26 =	sand.u32 $0xF80, s18;
	v1 =	vld.idx.msk [tilespmem:v3+s3+$0x0], $0xffff  }
0x18: {  	v4 =	vnsel vm14, $0x0, v4;
	s28 =	sadd.s32 $0x0, s26;
	v16 =	vld.idx.msk [tilespmem:v2+s3+$0x0], $0xffff  }
0x19: {  	s29 =	ssub.s32 $0xFFE, s28;
	s21 =	ssub.s32 $0xF8E, s28;
	s20 =	ssub.s32 $0xFAE, s28;
	v5 =	vld.idx.msk [tilespmem:v5+s3+$0x0], $0xffff  }
0x1a: {  	s19 =	ssub.s32 $0xF9E, s28;
	s30 =	ssub.s32 $0xFEE, s28;
	v6 =	vadd.s32 s29, v0;
	v13 =	vadd.s32 s21, v0;
	v14 =	vadd.s32 s20, v0;
	v8 =	vld.idx.msk [tilespmem:v7+s3+$0x0], $0xffff  }
0x1b: {  	s22 =	ssub.s32 $0xFBE, s28;
	v3 =	vadd.s32 s19, v0;
	s19 =	simm.s32 $0x1040;
	v7 =	vadd.s32 s30, v0;
	vm1 =	vgt.s32 v13, $0x0;
	v12 =	vld.idx.msk [tilespmem:v11+s3+$0x0], $0xffff  }
0x1c: {  	s17 =	simm.s32 $0x0;
	s31 =	ssub.s32 $0xFDE, s28;
	s23 =	ssub.s32 $0xFCE, s28;
	v11 =	vld.idx.msk [tilespmem:v15+s3+$0x0], $0xffff;
	vm15 =	vgt.s32 v3, $0x0;
	v13 =	vnsel vm1, $0x0, v13;
	v2 =	vadd.s32 s22, v0;
	[tilespmem:s19+$0xFFFFFFC0] =	vst v9  }
0x1d: {  	s20 =	simm.s32 $0x0;
	s21 =	simm.s32 $0x1040;
	v10 =	vld.idx.msk [tilespmem:v4+s3+$0x0], $0xffff;
	v3 =	vnsel vm15, $0x0, v3;
	v4 =	vadd.s32 s31, v0;
	s22 =	simm.s32 $0x8;
	v9 =	vadd.s32 s23, v0;
	[tilespmem:s19+$0x30] =	vst v16  }
.LBB2_2:
0x1e: {  	s22 =	sadd.s32 $0x8, s22;
	s18 =	sadd.s32 $0x80, s18  }
0x1f: {  	v15 =	vld.idx.msk [tilespmem:v6+s20+$0x0], $0xffff;
	[tilespmem:s19+$0x10] =	vst v5;
	s21 =	sadd.s32 $0x80, s21;
	s23 =	sshrl.u32 s22, $0x8;
	s24 =	sand.u32 $0xF80, s18  }
0x20: {  	p0 =	slt.u32 s22, $0xFF8;
	[tilespmem:s19+$0xFFFFFFD0] =	vst v1;
	v1 =	vld.idx.msk [tilespmem:v7+s20+$0x0], $0xffff;
	s23 =	sadd.s32 s24, s23  }
0x21: {  	v16 =	vld.idx.msk [tilespmem:v13+s20+$0x0], $0xffff;
	[tilespmem:s19+$0xFFFFFFF0] =	vst v8;
	s24 =	ssub.s32 $0xFFE, s23  }
0x22: {  	s25 =	ssub.s32 $0xF9E, s23;
	s26 =	ssub.s32 $0xF8E, s23;
	v5 =	vld.idx.msk [tilespmem:v14+s20+$0x0], $0xffff;
	[tilespmem:s19+$0x20] =	vst v10;
	s28 =	ssub.s32 $0xFDE, s23  }
.Ltmp0:
0x23: {  	s29 =	ssub.s32 $0xFCE, s23;
	v6 =	vadd.s32 s24, v0;
	s24 =	ssub.s32 $0xFEE, s23;
	v14 =	vadd.s32 s25, v0;
	v10 =	vadd.s32 s26, v0;
	[tilespmem:s19+$0xFFFFFFE0] =	vst v12;
	(pc) =	sbr.rel @p0 .LBB2_2-.Ltmp0, $4  }
0x24: {  	v7 =	vadd.s32 s24, v0;
	s24 =	ssub.s32 $0xFBE, s23;
	s23 =	ssub.s32 $0xFAE, s23;
	vm0 =	vgt.s32 v14, $0x0;
	vm1 =	vgt.s32 v10, $0x0;
	v8 =	vld.idx.msk [tilespmem:v9+s20+$0x0], $0xffff;
	[tilespmem:s19+$0x0] =	vst v11;
	s19 =	smov.u32 s21  }
0x25: {  	v17 =	vadd.s32 s24, v0;
	v13 =	vnsel vm1, $0x0, v10;
	[tilespmem:s21+$0xFFFFFFC0] =	vst v15;
	v10 =	vld.idx.msk [tilespmem:v3+s20+$0x0], $0xffff;
	v3 =	vnsel vm0, $0x0, v14  }
0x26: {  	v9 =	vadd.s32 s29, v0;
	v14 =	vadd.s32 s23, v0;
	v12 =	vld.idx.msk [tilespmem:v4+s20+$0x0], $0xffff;
	v4 =	vadd.s32 s28, v0  }
0x27: {  	v11 =	vld.idx.msk [tilespmem:v2+s20+$0x0], $0xffff;
	s20 =	simm.s32 $0x0;
	[tilespmem:s21+$0x30] =	vst v16;
	v2 =	vmov v17  }
0x28: {  	_ =	sdelay $0x2  }
0x29: {  	[tilespmem:s19+$0x10] =	vst v5  }
0x2a: {  	v5 =	vld.idx.msk [tilespmem:v6+s20+$0x0], $0xffff;
	[tilespmem:s19+$0xFFFFFFD0] =	vst v1  }
0x2b: {  	v1 =	vld.idx.msk [tilespmem:v13+s20+$0x0], $0xffff;
	[tilespmem:s19+$0xFFFFFFF0] =	vst v8  }
0x2c: {  	v6 =	vld.idx.msk [tilespmem:v14+s20+$0x0], $0xffff;
	[tilespmem:s19+$0x20] =	vst v10  }
0x2d: {  	v7 =	vld.idx.msk [tilespmem:v7+s20+$0x0], $0xffff;
	[tilespmem:s19+$0xFFFFFFE0] =	vst v12  }
0x2e: {  	s18 =	sadd.s32 $0x80, s21;
	v63 =	vld.idx.msk [tilespmem:v9+s20+$0x0], $0xffff;
	[tilespmem:s19+$0x0] =	vst v11  }
0x2f: {  	v3 =	vld.idx.msk [tilespmem:v3+s20+$0x0], $0xffff;
	[tilespmem:s18+$0xFFFFFFC0] =	vst v5  }
0x30: {  	v4 =	vld.idx.msk [tilespmem:v4+s20+$0x0], $0xffff;
	[tilespmem:s18+$0x30] =	vst v1  }
0x31: {  	v1 =	vld.idx.msk [tilespmem:v2+s20+$0x0], $0xffff;
	[tilespmem:s18+$0x10] =	vst v6  }
0x32: {  	s25 =	simm.s32 $0x0;
	[tilespmem:s18+$0xFFFFFFD0] =	vst v7  }
0x33: {  	s26 =	sand.u32 $0x780, s20;
	s19 =	ssub.s32 s7, s25;
	[tilespmem:s18+$0xFFFFFFF0] =	vst v63  }
0x34: {  	[tilespmem:s18+$0x20] =	vst v3;
	s28 =	sadd.s32 s26, s19;
	s19 =	sand.u32 $0xF, s19  }
0x35: {  	[tilespmem:s18+$0xFFFFFFE0] =	vst v4;
	s22 =	sshll.u32 s19, $0xC;
	s19 =	ssub.s32 s28, s19  }
0x36: {  	s21 =	sadd.s32 s22, s19;
	[tilespmem:s18+$0x0] =	vst v1  }
0x37: {  	v1 =	vld [tilespmem:s21+$0x1070]  }
0x38: {  	v2 =	vld [tilespmem:s21+$0x1050]  }
0x39: {  	s17 =	sand.u32 $0x380, s17;
	s29 =	sshll.u32 s26, $0x3;
	v4 =	vld [tilespmem:s21+$0x1040]  }
0x3a: {  	s30 =	simm.s32 $0x0;
	s17 =	sor.u32 s17, s29;
	s19 =	simm.s32 $0x80;
	v6 =	vld [tilespmem:s21+$0x1030]  }
0x3b: {  	s20 =	ssub.s32 s7, s30;
	s23 =	sand.u32 $0x780, s19;
	s18 =	sadd.s32 $0x11000, s17;
	v7 =	vld [tilespmem:s21+$0x1020]  }
0x3c: {  	s31 =	sadd.s32 s23, s20;
	s20 =	sand.u32 $0xF, s20;
	v3 =	vld [tilespmem:s21+$0x1010];
	[tilespmem:s18+$0x70] =	vst v1  }
0x3d: {  	s24 =	sshll.u32 s20, $0xC;
	s20 =	ssub.s32 s31, s20;
	v5 =	vld [tilespmem:s21+$0x1000];
	[tilespmem:s18+$0x50] =	vst v2  }
0x3e: {  	s20 =	sadd.s32 s24, s20;
	[tilespmem:s18+$0x40] =	vst v4;
	v4 =	vld [tilespmem:s21+$0x1060]  }
0x3f: {  	s21 =	simm.s32 $0x8;
	v2 =	vld [tilespmem:s20+$0x1070];
	[tilespmem:s18+$0x30] =	vst v6  }
0x40: {  	s23 =	sshll.u32 s23, $0x3;
	v1 =	vld [tilespmem:s20+$0x1050];
	[tilespmem:s18+$0x20] =	vst v7;
	s22 =	sand.u32 $0x380, s21  }
.LBB2_4:
0x41: {  	s21 =	sadd.s32 $0x8, s21  }
0x42: {  	v6 =	vld [tilespmem:s20+$0x1040];
	s19 =	sadd.s32 $0x80, s19;
	[tilespmem:s18+$0x10] =	vst v3;
	s24 =	sshrl.u32 s21, $0x7  }
0x43: {  	v7 =	vld [tilespmem:s20+$0x1030];
	[tilespmem:s17+$0x11000] =	vst v5;
	s17 =	sor.u32 s22, s23;
	s22 =	sand.u32 $0x380, s21;
	s23 =	sand.u32 $0x780, s19  }
0x44: {  	p0 =	slt.u32 s21, $0x3F8;
	s24 =	ssub.s32 s7, s24;
	v8 =	vld [tilespmem:s20+$0x1020];
	[tilespmem:s18+$0x60] =	vst v4;
	s18 =	sadd.s32 $0x11000, s17  }
.Ltmp1:
0x45: {  	s25 =	sadd.s32 s23, s24;
	s24 =	sand.u32 $0xF, s24;
	v3 =	vld [tilespmem:s20+$0x1010];
	[tilespmem:s18+$0x70] =	vst v2;
	(pc) =	sbr.rel @p0 .LBB2_4-.Ltmp1, $4  }
0x46: {  	s23 =	sshll.u32 s23, $0x3;
	s26 =	sshll.u32 s24, $0xC;
	s24 =	ssub.s32 s25, s24;
	v5 =	vld [tilespmem:s20+$0x1000];
	[tilespmem:s18+$0x50] =	vst v1  }
0x47: {  	[tilespmem:s18+$0x40] =	vst v6;
	v4 =	vld [tilespmem:s20+$0x1060];
	s20 =	sadd.s32 s26, s24  }
0x48: {  	v2 =	vld [tilespmem:s20+$0x1070];
	[tilespmem:s18+$0x30] =	vst v7  }
0x49: {  	v1 =	vld [tilespmem:s20+$0x1050];
	[tilespmem:s18+$0x20] =	vst v8  }
0x4a: {  	v6 =	vld [tilespmem:s20+$0x1040];
	[tilespmem:s18+$0x10] =	vst v3  }
0x4b: {  	s19 =	sor.u32 s22, s23;
	v3 =	vld [tilespmem:s20+$0x1030];
	[tilespmem:s17+$0x11000] =	vst v5  }
0x4c: {  	s22 =	sadd.s32 $0x11000, s19;
	v5 =	vld [tilespmem:s20+$0x1020];
	[tilespmem:s18+$0x60] =	vst v4  }
0x4d: {  	v4 =	vld [tilespmem:s20+$0x1010];
	[tilespmem:s22+$0x70] =	vst v2  }
0x4e: {  	v2 =	vld [tilespmem:s20+$0x1000];
	[tilespmem:s22+$0x50] =	vst v1  }
0x4f: {  	v1 =	vld [tilespmem:s20+$0x1060];
	[tilespmem:s22+$0x40] =	vst v6  }
0x50: {  	s23 =	simm.s32 $0x0;
	s24 =	simm.s32 $0x0;
	[tilespmem:s22+$0x30] =	vst v3  }
0x51: {  	s17 =	sand.u32 $0x780, s23;
	s18 =	ssub.s32 s9, s24;
	[tilespmem:s22+$0x20] =	vst v5  }
0x52: {  	s25 =	sadd.s32 s17, s18;
	s18 =	sand.u32 $0x7, s18;
	[tilespmem:s22+$0x10] =	vst v4  }
0x53: {  	s26 =	sshll.u32 s18, $0xC;
	s18 =	ssub.s32 s25, s18;
	[tilespmem:s19+$0x11000] =	vst v2  }
0x54: {  	s21 =	sadd.s32 s26, s18;
	[tilespmem:s22+$0x60] =	vst v1  }
0x55: {  	[hbm4b:s8+s23] =	stream.linear.scatter [tilespmem:s13], [sflag:$0x1], $0x4000, $0x38;
	[tilespmem:$0x19000] =	vst v63  }
0x56: {  	v1 =	vld [tilespmem:s21+$0x1070]  }
0x57: {  	s28 =	simm.s32 $0x0;
	v2 =	vld [tilespmem:s21+$0x1050]  }
0x58: {  	s17 =	sshll.u32 s17, $0x3;
	s18 =	sand.u32 $0x380, s28;
	v4 =	vld [tilespmem:s21+$0x1040]  }
0x59: {  	s29 =	simm.s32 $0x0;
	s17 =	sor.u32 s18, s17;
	s19 =	simm.s32 $0x80;
	v6 =	vld [tilespmem:s21+$0x1030]  }
0x5a: {  	s20 =	ssub.s32 s9, s29;
	s18 =	sadd.s32 $0x11000, s17;
	s30 =	sand.u32 $0x780, s19;
	v7 =	vld [tilespmem:s21+$0x1020]  }
0x5b: {  	s31 =	sadd.s32 s30, s20;
	s20 =	sand.u32 $0x7, s20;
	v3 =	vld [tilespmem:s21+$0x1010];
	[tilespmem:s18+$0x4070] =	vst v1  }
0x5c: {  	s24 =	sshll.u32 s20, $0xC;
	s20 =	ssub.s32 s31, s20;
	v5 =	vld [tilespmem:s21+$0x1000];
	[tilespmem:s18+$0x4050] =	vst v2  }
0x5d: {  	s20 =	sadd.s32 s24, s20;
	[tilespmem:s18+$0x4040] =	vst v4;
	v4 =	vld [tilespmem:s21+$0x1060]  }
0x5e: {  	s21 =	simm.s32 $0x8;
	v2 =	vld [tilespmem:s20+$0x1070];
	[tilespmem:s18+$0x4030] =	vst v6  }
0x5f: {  	s23 =	sshll.u32 s30, $0x3;
	v1 =	vld [tilespmem:s20+$0x1050];
	[tilespmem:s18+$0x4020] =	vst v7;
	s22 =	sand.u32 $0x380, s21  }
.LBB2_6:
0x60: {  	s21 =	sadd.s32 $0x8, s21  }
0x61: {  	v6 =	vld [tilespmem:s20+$0x1040];
	s19 =	sadd.s32 $0x80, s19;
	[tilespmem:s18+$0x4010] =	vst v3;
	s24 =	sshrl.u32 s21, $0x7  }
0x62: {  	v7 =	vld [tilespmem:s20+$0x1030];
	[tilespmem:s17+$0x15000] =	vst v5;
	s17 =	sor.u32 s22, s23;
	s22 =	sand.u32 $0x380, s21;
	s23 =	sand.u32 $0x780, s19  }
0x63: {  	p0 =	slt.u32 s21, $0x3F8;
	s24 =	ssub.s32 s9, s24;
	v8 =	vld [tilespmem:s20+$0x1020];
	[tilespmem:s18+$0x4060] =	vst v4;
	s18 =	sadd.s32 $0x11000, s17  }
.Ltmp2:
0x64: {  	s25 =	sadd.s32 s23, s24;
	s24 =	sand.u32 $0x7, s24;
	v3 =	vld [tilespmem:s20+$0x1010];
	[tilespmem:s18+$0x4070] =	vst v2;
	(pc) =	sbr.rel @p0 .LBB2_6-.Ltmp2, $4  }
0x65: {  	s23 =	sshll.u32 s23, $0x3;
	s26 =	sshll.u32 s24, $0xC;
	s24 =	ssub.s32 s25, s24;
	v5 =	vld [tilespmem:s20+$0x1000];
	[tilespmem:s18+$0x4050] =	vst v1  }
0x66: {  	[tilespmem:s18+$0x4040] =	vst v6;
	v4 =	vld [tilespmem:s20+$0x1060];
	s20 =	sadd.s32 s26, s24  }
0x67: {  	v2 =	vld [tilespmem:s20+$0x1070];
	[tilespmem:s18+$0x4030] =	vst v7  }
0x68: {  	v1 =	vld [tilespmem:s20+$0x1050];
	[tilespmem:s18+$0x4020] =	vst v8  }
0x69: {  	v6 =	vld [tilespmem:s20+$0x1040];
	[tilespmem:s18+$0x4010] =	vst v3  }
0x6a: {  	s19 =	sor.u32 s22, s23;
	v3 =	vld [tilespmem:s20+$0x1030];
	[tilespmem:s17+$0x15000] =	vst v5  }
0x6b: {  	v62 =	vld [tilespmem:s20+$0x1020];
	s31 =	sadd.s32 $0x11000, s19;
	[tilespmem:s18+$0x4060] =	vst v4  }
0x6c: {  	v63 =	vld [tilespmem:s20+$0x1010];
	[tilespmem:s31+$0x4070] =	vst v2  }
0x6d: {  	v2 =	vld [tilespmem:s20+$0x1000];
	[tilespmem:s31+$0x4050] =	vst v1  }
0x6e: {  	v1 =	vld [tilespmem:s20+$0x1060];
	[tilespmem:s31+$0x4040] =	vst v6  }
0x6f: {  	[tilespmem:s31+$0x4030] =	vst v3  }
0x70: {  	[tilespmem:s31+$0x4020] =	vst v62  }
0x71: {  	[tilespmem:s31+$0x4010] =	vst v63  }
0x72: {  	[tilespmem:s19+$0x15000] =	vst v2  }
0x73: {  	s17 =	simm.s32 $0x2;
	[tilespmem:s31+$0x4060] =	vst v1  }
0x74: {  	[hbm4b:s10+s3] =	stream.linear.scatter [tilespmem:s14], [sflag:$0x1], $0x4000, $0x38;
	[tilespmem:$0x19000] =	vst v63  }
.LBB2_8:
0x75: {  	s18 =	sor.u32 s4, s17  }
0x76: {  	s20 =	sshll.u32 s18, $0x3  }
0x77: {  	s19 =	simm.s32 $0x0;
	s21 =	sadd.s32 $0x0, s20  }
0x78: {  	s22 =	sand.u32 $0x780, s19;
	s30 =	ssub.s32 $0x7FF, s21  }
0x79: {  	_ =	swait.ge [sflag:s15], $0x4000;
	s21 =	sadd.s32 s22, s30;
	s19 =	sand.u32 $0xF, s30  }
0x7a: {  	[sflag:s15] =	ssyncset.done $0x0;
	s23 =	sshll.u32 s19, $0xC;
	s19 =	ssub.s32 s21, s19  }
0x7b: {  	[sflag:s15] =	ssyncadd.s32 $0xFFFFC000;
	s24 =	sadd.s32 s23, s19  }
0x7c: {  	s31 =	sshll.u32 s17, $0xE;
	v3 =	vld [tilespmem:s24+$0x1070]  }
0x7d: {  	s28 =	simm.s32 $0x0;
	s25 =	sand.u32 $0x4000, s31;
	v4 =	vld [tilespmem:s24+$0x1060]  }
0x7e: {  	s29 =	sand.u32 $0x380, s28;
	s26 =	sshll.u32 s22, $0x3;
	s19 =	sor.u32 $0x11000, s25;
	v5 =	vld [tilespmem:s24+$0x1040]  }
0x7f: {  	s22 =	simm.s32 $0x80;
	s25 =	sadd.s32 $0x0, s20;
	s21 =	sadd.s32 s26, s19;
	v6 =	vld [tilespmem:s24+$0x1030]  }
0x80: {  	s30 =	sand.u32 $0x780, s22;
	s25 =	ssub.s32 $0x7FF, s25;
	v1 =	vld [tilespmem:s24+$0x1020];
	s23 =	sadd.s32 s29, s21  }
0x81: {  	v2 =	vld [tilespmem:s24+$0x1010];
	s26 =	sadd.s32 s30, s25;
	s25 =	sand.u32 $0xF, s25;
	[tilespmem:s23+$0x70] =	vst v3  }
0x82: {  	s28 =	sshll.u32 s25, $0xC;
	s25 =	ssub.s32 s26, s25;
	v3 =	vld [tilespmem:s24+$0x1000];
	[tilespmem:s23+$0x60] =	vst v4  }
0x83: {  	s31 =	sshll.u32 s30, $0x3;
	s21 =	sadd.s32 s28, s25;
	[tilespmem:s23+$0x40] =	vst v5;
	v4 =	vld [tilespmem:s24+$0x1050]  }
0x84: {  	s26 =	simm.s32 $0x8;
	s25 =	sadd.s32 s31, s19;
	s24 =	simm.s32 $0x8;
	v5 =	vld [tilespmem:s21+$0x1070];
	[tilespmem:s23+$0x30] =	vst v6  }
.LBB2_9:
0x85: {  	s24 =	sadd.s32 $0x8, s24;
	v6 =	vld [tilespmem:s21+$0x1060];
	[tilespmem:s23+$0x20] =	vst v1  }
0x86: {  	s26 =	sand.u32 $0x380, s26;
	s28 =	sshrl.u32 s24, $0x7;
	p0 =	slt.u32 s24, $0x3F8;
	v7 =	vld [tilespmem:s21+$0x1040];
	[tilespmem:s23+$0x10] =	vst v2  }
0x87: {  	s22 =	sadd.s32 $0x80, s22;
	s29 =	sadd.s32 s26, s25;
	s28 =	sadd.s32 s28, s20;
	v8 =	vld [tilespmem:s21+$0x1030];
	[tilespmem:s23+$0x0] =	vst v3  }
.Ltmp3:
0x88: {  	s25 =	sand.u32 $0x780, s22;
	s26 =	ssub.s32 $0x7FF, s28;
	v1 =	vld [tilespmem:s21+$0x1020];
	[tilespmem:s23+$0x50] =	vst v4;
	(pc) =	sbr.rel @p0 .LBB2_9-.Ltmp3, $4  }
0x89: {  	s23 =	sadd.s32 s25, s26;
	s26 =	sand.u32 $0xF, s26;
	s25 =	sshll.u32 s25, $0x3;
	v2 =	vld [tilespmem:s21+$0x1010];
	[tilespmem:s29+$0x70] =	vst v5  }
0x8a: {  	s28 =	sshll.u32 s26, $0xC;
	s23 =	ssub.s32 s23, s26;
	s25 =	sadd.s32 s25, s19;
	v3 =	vld [tilespmem:s21+$0x1000];
	[tilespmem:s29+$0x60] =	vst v6  }
0x8b: {  	s26 =	smov.u32 s24;
	[tilespmem:s29+$0x40] =	vst v7;
	v4 =	vld [tilespmem:s21+$0x1050];
	s21 =	sadd.s32 s28, s23;
	s23 =	smov.u32 s29  }
0x8c: {  	v5 =	vld [tilespmem:s21+$0x1070];
	[tilespmem:s23+$0x30] =	vst v8  }
0x8d: {  	v6 =	vld [tilespmem:s21+$0x1060];
	[tilespmem:s23+$0x20] =	vst v1  }
0x8e: {  	v1 =	vld [tilespmem:s21+$0x1040];
	[tilespmem:s23+$0x10] =	vst v2  }
0x8f: {  	s20 =	sand.u32 $0x380, s26;
	v62 =	vld [tilespmem:s21+$0x1010];
	[tilespmem:s23+$0x0] =	vst v3  }
0x90: {  	v63 =	vld [tilespmem:s21+$0x1000];
	s20 =	sadd.s32 s20, s25;
	[tilespmem:s23+$0x50] =	vst v4  }
0x91: {  	v2 =	vld [tilespmem:s21+$0x1030];
	[tilespmem:s20+$0x70] =	vst v5  }
0x92: {  	v3 =	vld [tilespmem:s21+$0x1020];
	[tilespmem:s20+$0x60] =	vst v6  }
0x93: {  	s17 =	sadd.s32 $0x1, s17;
	[tilespmem:s20+$0x40] =	vst v1;
	v1 =	vld [tilespmem:s21+$0x1050]  }
0x94: {  	p0 =	sne.s32 s17, $0x80;
	[tilespmem:s20+$0x10] =	vst v62  }
.Ltmp4:
0x95: {  	s18 =	sshll.u32 s18, $0xE;
	[tilespmem:s20+$0x0] =	vst v63;
	(pc) =	sbr.rel @p0 .LBB2_8-.Ltmp4, $4  }
0x96: {  	s18 =	sadd.s32 s6, s18;
	[tilespmem:s20+$0x30] =	vst v2  }
0x97: {  	s18 =	sshrl.u32 s18, $0x3;
	[tilespmem:s20+$0x20] =	vst v3  }
0x98: {  	s18 =	sadd.s32 s1, s18;
	[tilespmem:s20+$0x50] =	vst v1  }
0x99: {  	[hbm4b:s18+s3] =	stream.linear.scatter [tilespmem:s19], [sflag:$0x1], $0x4000, $0x38;
	[tilespmem:$0x19000] =	vst v63  }
0x9a: {  	s16 =	sadd.s32 $0x1, s16  }
0x9b: {  	_ =	swait.ge [sflag:s15], $0x4000;
	p0 =	sne.s32 s16, s11  }
.Ltmp5:
0x9c: {  	[sflag:s15] =	ssyncset.done $0x0;
	(pc) =	sbr.rel @p0 .LBB2_1-.Ltmp5, $4  }
0x9d: {  	[sflag:s15] =	ssyncadd.s32 $0xFFFFC000  }
0x9e: {  	_ =	swait.ge [sflag:s15], $0x4000  }
0x9f: {  	[sflag:s15] =	ssyncset.done $0x0  }
0xa0: {  	[sflag:s15] =	ssyncadd.s32 $0xFFFFC000  }
0xa1: {  	_ =	sfence.sel $0x180000  }
0xa2: {  	[bflag:$0x0] =	sbarrier.arrive $0xFFFF  }
0xa3: {  	p0 =	sne.s32 s2, $0x0;
	_ =	strace $0x90000047  }
0xa4: {  	s0 =	sadd.s32 @!p0 $0x100000, s0;
	[bflag:$0x2] =	sbarrier.arrive $0xFFFF  }
0xa5: {  	[sflag:s0] =	ssyncadd.tile.s32 @!p0 $0x1;
	_ =	shalt  }
.Lfunc_end2:
_tile_overlayer_lowered:
.L_overlay_start_2:
0xa6: {  	(tag) =	ssettag $0x2  }
0xa7: {  	s0 =	rddreg [dreg:$0x0];
	s2 =	stileid.u32  }
0xa8: {  	s1 =	rddreg [dreg:$0x1];
	p0 =	sne.s32 s2, $0x0  }
0xa9: {  	s3 =	rddreg [dreg:$0x2];
	[bflag:$0x3] =	sbarrier.arrive $0xFFFF;
	s2 =	simm.s32 @!p0 $0x1C02  }
0xaa: {  	[timem:s3], [sflag:s2] =	dma.local @!p0 [hbm:s0], s1  }
0xab: {  	s0 =	simm.s32 @!p0 $0x2  }
0xac: {  	_ =	swait.ge @!p0 [sflag:s0], s1  }
0xad: {  	s1 =	ssub.s32 @!p0 $0x0, s1;
	[sflag:s0] =	ssyncset.done @!p0 $0x0  }
0xae: {  	[sflag:s0] =	ssyncadd.s32 @!p0 s1  }
0xaf: {  	[bflag:$0x3] =	sbarrier.arrive $0xFFFF  }
0xb0: {  	_ =	shalt  }

</sc_bundles>
